<compile_context>
chip_gen: v7x
topology: tpu7x:2x2x1
jax: 0.10.2.dev20260603
libtpu: 0.0.44.dev20260713+nightly
codegen_flags: <defaults>
</compile_context>

<pallas_src>
import functools

import jax
import jax.numpy as jnp
from jax import lax
from jax.experimental import pallas as pl
from jax.experimental.pallas import tpu as pltpu
from jax.experimental.pallas import tpu_sc as plsc

_NC, _NS, _LANES = 2, 16, 16
_NW = _NC * _NS


def _sc_gather_combine(idx_flat, concept_table, law_table, a16, b16):
    N = idx_flat.shape[0]
    D = concept_table.shape[1]
    per_w = N // _NW
    C = 128
    n_chunks = per_w // C

    mesh = plsc.VectorSubcoreMesh(core_axis_name="c", subcore_axis_name="s")

    @functools.partial(
        pl.kernel,
        mesh=mesh,
        out_type=jax.ShapeDtypeStruct((N, D), jnp.float32),
        scratch_types=[
            pltpu.VMEM((C,), jnp.int32),
            pltpu.VMEM((C, D), jnp.float32),
            pltpu.VMEM((C, D), jnp.float32),
            pltpu.VMEM((_LANES,), jnp.float32),
            pltpu.VMEM((_LANES,), jnp.float32),
            pltpu.SemaphoreType.DMA,
        ],
        compiler_params=pltpu.CompilerParams(use_tc_tiling_on_sc=False),
    )
    def k(idx_hbm, ct_hbm, lt_hbm, a_hbm, b_hbm, out_hbm, idx_v, c_v, l_v, a_v, b_v, sem):
        wid = lax.axis_index("s") * _NC + lax.axis_index("c")
        base = wid * per_w
        pltpu.sync_copy(a_hbm, a_v)
        pltpu.sync_copy(b_hbm, b_v)
        av = a_v[...]
        bv = b_v[...]

        def chunk(g, carry):
            off = base + g * C
            pltpu.sync_copy(idx_hbm.at[pl.ds(off, C)], idx_v)
            cp1 = pltpu.async_copy(ct_hbm.at[idx_v], c_v, sem)
            cp2 = pltpu.async_copy(lt_hbm.at[idx_v], l_v, sem)
            cp1.wait()
            cp2.wait()

            def row(r, carry2):
                for kk in range(D // _LANES):
                    s = pl.ds(kk * _LANES, _LANES)
                    c_v[r, s] = av * c_v[r, s] + bv * l_v[r, s]
                return carry2

            lax.fori_loop(0, C, row, 0)
            pltpu.sync_copy(c_v, out_hbm.at[pl.ds(off, C)])
            return carry

        lax.fori_loop(0, n_chunks, chunk, 0)

    return k(idx_flat, concept_table, law_table, a16, b16)


def _tc_body(x_ref, comb_ref, g_ref, lb_ref, w1_ref, b1_ref, w2_ref, b2_ref, out_ref):
    xp = x_ref[...] + comb_ref[...]
    mu = jnp.mean(xp, axis=1, keepdims=True)
    xc = xp - mu
    var = jnp.mean(xc * xc, axis=1, keepdims=True)
    h = xc * lax.rsqrt(var + 1e-5) * g_ref[...] + lb_ref[...]
    hid = jnp.dot(h, w1_ref[...], preferred_element_type=jnp.float32) + b1_ref[...]
    act = 0.5 * hid * (1.0 + lax.erf(hid * 0.7071067811865476))
    ffn = jnp.dot(act, w2_ref[...], preferred_element_type=jnp.float32) + b2_ref[...]
    out_ref[...] = xp + ffn


def _tc_ffn(xf, comb, ln_gamma, ln_beta, W1, b1, W2, b2):
    N, D = xf.shape
    H = W1.shape[1]
    TN = 1024
    grid = (N // TN,)
    return pl.pallas_call(
        _tc_body,
        grid=grid,
        in_specs=[
            pl.BlockSpec((TN, D), lambda i: (i, 0)),
            pl.BlockSpec((TN, D), lambda i: (i, 0)),
            pl.BlockSpec((1, D), lambda i: (0, 0)),
            pl.BlockSpec((1, D), lambda i: (0, 0)),
            pl.BlockSpec((D, H), lambda i: (0, 0)),
            pl.BlockSpec((1, H), lambda i: (0, 0)),
            pl.BlockSpec((H, D), lambda i: (0, 0)),
            pl.BlockSpec((1, D), lambda i: (0, 0)),
        ],
        out_specs=pl.BlockSpec((TN, D), lambda i: (i, 0)),
        out_shape=jax.ShapeDtypeStruct((N, D), jnp.float32),
    )(xf, comb, ln_gamma.reshape(1, D), ln_beta.reshape(1, D),
      W1, b1.reshape(1, H), W2, b2.reshape(1, D))


def kernel(x, idx, concept_table, law_table, alpha, beta, ln_gamma, ln_beta, W1, b1, W2, b2):
    B, L, D = x.shape
    N = B * L
    xf = x.reshape(N, D)
    idx_flat = idx.reshape(N).astype(jnp.int32)
    a16 = jnp.full((_LANES,), alpha, jnp.float32)
    b16 = jnp.full((_LANES,), beta, jnp.float32)
    comb = _sc_gather_combine(idx_flat, concept_table, law_table, a16, b16)
    out = _tc_ffn(xf, comb, ln_gamma, ln_beta, W1, b1, W2, b2)
    return out.reshape(B, L, D)

# --- scband reference (transcript-rebuilt; emitter-appended) ---
"""Pipeline reference for scband-concept-adapter-9363028706232 (READ-ONLY COPY).

The authoritative reference and input builder live on the scoring server;
editing this copy changes nothing except your own understanding.
"""

import jax, jax.numpy as jnp
import numpy as np

B, L, D, V = 1024, 200, 64, 1000000

def setup_inputs(seed: int = 0) -> dict:
    key = jax.random.key(seed)
    ks = jax.random.split(key, 8)
    x = jax.random.normal(ks[0], (B, L, D), dtype=jnp.float32)
    idx = jax.random.randint(ks[1], (B, L), 0, V, dtype=jnp.int64) if jax.config.jax_enable_x64 else jax.random.randint(ks[1], (B, L), 0, V, dtype=jnp.int32)
    concept_table = jax.random.normal(ks[2], (V, D), dtype=jnp.float32) * 0.02
    law_table = jax.random.normal(ks[3], (V, D), dtype=jnp.float32) * 0.02
    alpha = jnp.asarray(0.5, dtype=jnp.float32)
    beta = jnp.asarray(0.3, dtype=jnp.float32)
    ln_gamma = jnp.ones((D,), dtype=jnp.float32)
    ln_beta = jnp.zeros((D,), dtype=jnp.float32)
    W1 = jax.random.normal(ks[4], (D, 4 * D), dtype=jnp.float32) * 0.02
    b1 = jnp.zeros((4 * D,), dtype=jnp.float32)
    W2 = jax.random.normal(ks[5], (4 * D, D), dtype=jnp.float32) * 0.02
    b2 = jnp.zeros((D,), dtype=jnp.float32)
    return {"x": x, "idx": idx, "concept_table": concept_table, "law_table": law_table,
            "alpha": alpha, "beta": beta, "ln_gamma": ln_gamma, "ln_beta": ln_beta,
            "W1": W1, "b1": b1, "W2": W2, "b2": b2}

def _layernorm(x, gamma, beta, eps=1e-5):
    mu = jnp.mean(x, axis=-1, keepdims=True)
    var = jnp.mean(jnp.square(x - mu), axis=-1, keepdims=True)
    return (x - mu) / jnp.sqrt(var + eps) * gamma + beta

def reference(x, idx, concept_table, law_table, alpha, beta, ln_gamma, ln_beta, W1, b1, W2, b2):
    concept = jnp.take(concept_table, idx, axis=0)
    law = jnp.take(law_table, idx, axis=0)
    x = x + alpha * concept + beta * law
    h = _layernorm(x, ln_gamma, ln_beta)
    ffn = jax.nn.gelu(h @ W1 + b1, approximate=False) @ W2 + b2
    return x + ffn

if __name__ == "__main__":
    import jax
    _d = setup_inputs()
    print(jax.jit(kernel)(*tuple(_d.values())))

</pallas_src>

<mosaic_0001>
#map = affine_map<(d0, d1) -> (0)>
#map1 = affine_map<(d0, d1) -> (0, 0)>
module attributes {stable_mosaic.version = 14 : i64} {
  func.func @k(%arg0: i32, %arg1: i32, %arg2: memref<204800xi32, #tpu.memory_space<hbm>>, %arg3: memref<1000000x64xf32, #tpu.memory_space<hbm>>, %arg4: memref<1000000x64xf32, #tpu.memory_space<hbm>>, %arg5: memref<16xf32, #tpu.memory_space<hbm>>, %arg6: memref<16xf32, #tpu.memory_space<hbm>>, %arg7: memref<204800x64xf32, #tpu.memory_space<hbm>>, %arg8: memref<128xi32, #tpu.memory_space<vmem>>, %arg9: memref<128x64xf32, #tpu.memory_space<vmem>>, %arg10: memref<128x64xf32, #tpu.memory_space<vmem>>, %arg11: memref<16xf32, #tpu.memory_space<vmem>>, %arg12: memref<16xf32, #tpu.memory_space<vmem>>, %arg13: memref<!tpu.dma_semaphore, #tpu.memory_space<semaphore_mem>>) attributes {dimension_semantics = [#tpu.dimension_semantics<core_parallel>, #tpu.dimension_semantics<subcore_parallel>], iteration_bounds = array<i64: 2, 16>, scalar_prefetch = 0 : i64, scratch_operands = 6 : i64, tpu.core_type = #tpu.core_type<sc_vector_subcore>, window_params = [{transform_indices = #map}, {transform_indices = #map1}, {transform_indices = #map1}, {transform_indices = #map}, {transform_indices = #map}, {transform_indices = #map1}]} {
    %mul3A = arith.constant 2 : i32
    %mul3A_0 = arith.muli %arg1, %mul3A : i32
    %add3A = arith.addi %mul3A_0, %arg0 : i32
    %mul3A_1 = arith.constant 6400 : i32
    %mul3A_2 = arith.muli %add3A, %mul3A_1 : i32
    "tpu.region"() ({
      %run_scoped3A = tpu.sem_alloc : memref<!tpu.dma_semaphore, #tpu.memory_space<semaphore_mem>>
      tpu.enqueue_dma source(%arg5 : memref<16xf32, #tpu.memory_space<hbm>>) target(%arg11 : memref<16xf32, #tpu.memory_space<vmem>>) target_semaphore(%run_scoped3A : memref<!tpu.dma_semaphore, #tpu.memory_space<semaphore_mem>>)
      tpu.wait_dma2 semaphore(%run_scoped3A : memref<!tpu.dma_semaphore, #tpu.memory_space<semaphore_mem>>) src(%arg5 : memref<16xf32, #tpu.memory_space<hbm>>) dst(%arg11 : memref<16xf32, #tpu.memory_space<vmem>>)
      tpu.yield
    }) : () -> ()
    "tpu.region"() ({
      %run_scoped3A = tpu.sem_alloc : memref<!tpu.dma_semaphore, #tpu.memory_space<semaphore_mem>>
      tpu.enqueue_dma source(%arg6 : memref<16xf32, #tpu.memory_space<hbm>>) target(%arg12 : memref<16xf32, #tpu.memory_space<vmem>>) target_semaphore(%run_scoped3A : memref<!tpu.dma_semaphore, #tpu.memory_space<semaphore_mem>>)
      tpu.wait_dma2 semaphore(%run_scoped3A : memref<!tpu.dma_semaphore, #tpu.memory_space<semaphore_mem>>) src(%arg6 : memref<16xf32, #tpu.memory_space<hbm>>) dst(%arg12 : memref<16xf32, #tpu.memory_space<vmem>>)
      tpu.yield
    }) : () -> ()
    %get3A = arith.constant 0 : index
    %get3A_3 = tpu.vector_load %arg11[%get3A] {strides = array<i32>} : memref<16xf32, #tpu.memory_space<vmem>>, vector<16xf32>,
    %get3A_4 = vector.shape_cast %get3A_3 : vector<16xf32> to vector<16xf32>
    %get3A_5 = arith.constant 0 : index
    %get3A_6 = tpu.vector_load %arg12[%get3A_5] {strides = array<i32>} : memref<16xf32, #tpu.memory_space<vmem>>, vector<16xf32>,
    %get3A_7 = vector.shape_cast %get3A_6 : vector<16xf32> to vector<16xf32>
    %scan3A = arith.constant 0 : i32
    %scan3A_8 = arith.constant 0 : i32
    %scan3A_9 = arith.constant 50 : i32
    %scan3A_10 = arith.addi %scan3A_8, %scan3A_9 : i32
    %scan3A_11 = arith.constant 1 : i32
    scf.for %scan3A_13 = %scan3A_8 to %scan3A_10 step %scan3A_11  : i32 {
      %mul3A_14 = arith.constant 128 : i32
      %mul3A_15 = arith.muli %scan3A_13, %mul3A_14 : i32
      %add3A_16 = arith.addi %mul3A_2, %mul3A_15 : i32
      "tpu.region"() ({
        %run_scoped3A = tpu.sem_alloc : memref<!tpu.dma_semaphore, #tpu.memory_space<semaphore_mem>>
        %dma_start3A_33 = tpu.memref_slice %arg2[%add3A_16] : memref<204800xi32, #tpu.memory_space<hbm>> -> memref<128xi32, #tpu.memory_space<hbm>>
        %dma_start3A_34 = tpu.memref_slice %arg2[%add3A_16] : memref<204800xi32, #tpu.memory_space<hbm>> -> memref<128xi32, #tpu.memory_space<hbm>>
        tpu.enqueue_dma source(%dma_start3A_34 : memref<128xi32, #tpu.memory_space<hbm>>) target(%arg8 : memref<128xi32, #tpu.memory_space<vmem>>) target_semaphore(%run_scoped3A : memref<!tpu.dma_semaphore, #tpu.memory_space<semaphore_mem>>)
        %dma_wait3A_35 = tpu.memref_slice %arg2[%add3A_16] : memref<204800xi32, #tpu.memory_space<hbm>> -> memref<128xi32, #tpu.memory_space<hbm>>
        %dma_wait3A_36 = tpu.memref_slice %arg2[%add3A_16] : memref<204800xi32, #tpu.memory_space<hbm>> -> memref<128xi32, #tpu.memory_space<hbm>>
        tpu.wait_dma2 semaphore(%run_scoped3A : memref<!tpu.dma_semaphore, #tpu.memory_space<semaphore_mem>>) src(%dma_wait3A_36 : memref<128xi32, #tpu.memory_space<hbm>>) dst(%arg8 : memref<128xi32, #tpu.memory_space<vmem>>)
        tpu.yield
      }) : () -> ()
      %dma_start3A = arith.constant 0 : i32
      %dma_start3A_17 = arith.constant 0 : i32
      %dma_start3A_18 = tpu.memref_slice %arg3[%dma_start3A, %dma_start3A_17] : memref<1000000x64xf32, #tpu.memory_space<hbm>> -> memref<1000000x64xf32, #tpu.memory_space<hbm>>
      tpu.enqueue_indirect_dma source(%dma_start3A_18 : memref<1000000x64xf32, #tpu.memory_space<hbm>>) target(%arg9 : memref<128x64xf32, #tpu.memory_space<vmem>>) offsets(%arg8 : memref<128xi32, #tpu.memory_space<vmem>>) semaphore(%arg13 : memref<!tpu.dma_semaphore, #tpu.memory_space<semaphore_mem>>)
      %dma_start3A_19 = arith.constant 0 : i32
      %dma_start3A_20 = arith.constant 0 : i32
      %dma_start3A_21 = tpu.memref_slice %arg4[%dma_start3A_19, %dma_start3A_20] : memref<1000000x64xf32, #tpu.memory_space<hbm>> -> memref<1000000x64xf32, #tpu.memory_space<hbm>>
      tpu.enqueue_indirect_dma source(%dma_start3A_21 : memref<1000000x64xf32, #tpu.memory_space<hbm>>) target(%arg10 : memref<128x64xf32, #tpu.memory_space<vmem>>) offsets(%arg8 : memref<128xi32, #tpu.memory_space<vmem>>) semaphore(%arg13 : memref<!tpu.dma_semaphore, #tpu.memory_space<semaphore_mem>>)
      %dma_wait3A = arith.constant 0 : i32
      %dma_wait3A_22 = arith.constant 0 : i32
      %dma_wait3A_23 = tpu.memref_slice %arg3[%dma_wait3A, %dma_wait3A_22] : memref<1000000x64xf32, #tpu.memory_space<hbm>> -> memref<1000000x64xf32, #tpu.memory_space<hbm>>
      tpu.wait_indirect_dma semaphore(%arg13 : memref<!tpu.dma_semaphore, #tpu.memory_space<semaphore_mem>>) src(%dma_wait3A_23 : memref<1000000x64xf32, #tpu.memory_space<hbm>>) dst(%arg9 : memref<128x64xf32, #tpu.memory_space<vmem>>)
      %dma_wait3A_24 = arith.constant 0 : i32
      %dma_wait3A_25 = arith.constant 0 : i32
      %dma_wait3A_26 = tpu.memref_slice %arg4[%dma_wait3A_24, %dma_wait3A_25] : memref<1000000x64xf32, #tpu.memory_space<hbm>> -> memref<1000000x64xf32, #tpu.memory_space<hbm>>
      tpu.wait_indirect_dma semaphore(%arg13 : memref<!tpu.dma_semaphore, #tpu.memory_space<semaphore_mem>>) src(%dma_wait3A_26 : memref<1000000x64xf32, #tpu.memory_space<hbm>>) dst(%arg10 : memref<128x64xf32, #tpu.memory_space<vmem>>)
      %scan3A_27 = arith.constant 0 : i32
      %scan3A_28 = arith.constant 0 : i32
      %scan3A_29 = arith.constant 128 : i32
      %scan3A_30 = arith.addi %scan3A_28, %scan3A_29 : i32
      %scan3A_31 = arith.constant 1 : i32
      scf.for %scan3A_33 = %scan3A_28 to %scan3A_30 step %scan3A_31  : i32 {
        %get3A_34 = arith.index_cast %scan3A_33 : i32 to index
        %get3A_35 = arith.constant 0 : index
        %get3A_36 = tpu.vector_load %arg9[%get3A_34, %get3A_35] {strides = array<i32>} : memref<128x64xf32, #tpu.memory_space<vmem>>, vector<1x16xf32>,
        %get3A_37 = vector.shape_cast %get3A_36 : vector<1x16xf32> to vector<16xf32>
        %mul3A_38 = arith.mulf %get3A_4, %get3A_37 : vector<16xf32>
        %get3A_39 = arith.index_cast %scan3A_33 : i32 to index
        %get3A_40 = arith.constant 0 : index
        %get3A_41 = tpu.vector_load %arg10[%get3A_39, %get3A_40] {strides = array<i32>} : memref<128x64xf32, #tpu.memory_space<vmem>>, vector<1x16xf32>,
        %get3A_42 = vector.shape_cast %get3A_41 : vector<1x16xf32> to vector<16xf32>
        %mul3A_43 = arith.mulf %get3A_7, %get3A_42 : vector<16xf32>
        %add3A_44 = arith.addf %mul3A_38, %mul3A_43 : vector<16xf32>
        %swap3A = arith.index_cast %scan3A_33 : i32 to index
        %swap3A_45 = arith.constant 0 : index
        %swap3A_46 = tpu.vector_load %arg9[%swap3A, %swap3A_45] {strides = array<i32>} : memref<128x64xf32, #tpu.memory_space<vmem>>, vector<1x16xf32>,
        %swap3A_47 = vector.shape_cast %swap3A_46 : vector<1x16xf32> to vector<16xf32>
        %swap3A_48 = vector.shape_cast %add3A_44 : vector<16xf32> to vector<1x16xf32>
        tpu.vector_store %arg9[%swap3A, %swap3A_45], %swap3A_48 {strides = array<i32>} : memref<128x64xf32, #tpu.memory_space<vmem>>, vector<1x16xf32>,
        %get3A_49 = arith.index_cast %scan3A_33 : i32 to index
        %get3A_50 = arith.constant 16 : index
        %get3A_51 = tpu.vector_load %arg9[%get3A_49, %get3A_50] {strides = array<i32>} : memref<128x64xf32, #tpu.memory_space<vmem>>, vector<1x16xf32>,
        %get3A_52 = vector.shape_cast %get3A_51 : vector<1x16xf32> to vector<16xf32>
        %mul3A_53 = arith.mulf %get3A_4, %get3A_52 : vector<16xf32>
        %get3A_54 = arith.index_cast %scan3A_33 : i32 to index
        %get3A_55 = arith.constant 16 : index
        %get3A_56 = tpu.vector_load %arg10[%get3A_54, %get3A_55] {strides = array<i32>} : memref<128x64xf32, #tpu.memory_space<vmem>>, vector<1x16xf32>,
        %get3A_57 = vector.shape_cast %get3A_56 : vector<1x16xf32> to vector<16xf32>
        %mul3A_58 = arith.mulf %get3A_7, %get3A_57 : vector<16xf32>
        %add3A_59 = arith.addf %mul3A_53, %mul3A_58 : vector<16xf32>
        %swap3A_60 = arith.index_cast %scan3A_33 : i32 to index
        %swap3A_61 = arith.constant 16 : index
        %swap3A_62 = tpu.vector_load %arg9[%swap3A_60, %swap3A_61] {strides = array<i32>} : memref<128x64xf32, #tpu.memory_space<vmem>>, vector<1x16xf32>,
        %swap3A_63 = vector.shape_cast %swap3A_62 : vector<1x16xf32> to vector<16xf32>
        %swap3A_64 = vector.shape_cast %add3A_59 : vector<16xf32> to vector<1x16xf32>
        tpu.vector_store %arg9[%swap3A_60, %swap3A_61], %swap3A_64 {strides = array<i32>} : memref<128x64xf32, #tpu.memory_space<vmem>>, vector<1x16xf32>,
        %get3A_65 = arith.index_cast %scan3A_33 : i32 to index
        %get3A_66 = arith.constant 32 : index
        %get3A_67 = tpu.vector_load %arg9[%get3A_65, %get3A_66] {strides = array<i32>} : memref<128x64xf32, #tpu.memory_space<vmem>>, vector<1x16xf32>,
        %get3A_68 = vector.shape_cast %get3A_67 : vector<1x16xf32> to vector<16xf32>
        %mul3A_69 = arith.mulf %get3A_4, %get3A_68 : vector<16xf32>
        %get3A_70 = arith.index_cast %scan3A_33 : i32 to index
        %get3A_71 = arith.constant 32 : index
        %get3A_72 = tpu.vector_load %arg10[%get3A_70, %get3A_71] {strides = array<i32>} : memref<128x64xf32, #tpu.memory_space<vmem>>, vector<1x16xf32>,
        %get3A_73 = vector.shape_cast %get3A_72 : vector<1x16xf32> to vector<16xf32>
        %mul3A_74 = arith.mulf %get3A_7, %get3A_73 : vector<16xf32>
        %add3A_75 = arith.addf %mul3A_69, %mul3A_74 : vector<16xf32>
        %swap3A_76 = arith.index_cast %scan3A_33 : i32 to index
        %swap3A_77 = arith.constant 32 : index
        %swap3A_78 = tpu.vector_load %arg9[%swap3A_76, %swap3A_77] {strides = array<i32>} : memref<128x64xf32, #tpu.memory_space<vmem>>, vector<1x16xf32>,
        %swap3A_79 = vector.shape_cast %swap3A_78 : vector<1x16xf32> to vector<16xf32>
        %swap3A_80 = vector.shape_cast %add3A_75 : vector<16xf32> to vector<1x16xf32>
        tpu.vector_store %arg9[%swap3A_76, %swap3A_77], %swap3A_80 {strides = array<i32>} : memref<128x64xf32, #tpu.memory_space<vmem>>, vector<1x16xf32>,
        %get3A_81 = arith.index_cast %scan3A_33 : i32 to index
        %get3A_82 = arith.constant 48 : index
        %get3A_83 = tpu.vector_load %arg9[%get3A_81, %get3A_82] {strides = array<i32>} : memref<128x64xf32, #tpu.memory_space<vmem>>, vector<1x16xf32>,
        %get3A_84 = vector.shape_cast %get3A_83 : vector<1x16xf32> to vector<16xf32>
        %mul3A_85 = arith.mulf %get3A_4, %get3A_84 : vector<16xf32>
        %get3A_86 = arith.index_cast %scan3A_33 : i32 to index
        %get3A_87 = arith.constant 48 : index
        %get3A_88 = tpu.vector_load %arg10[%get3A_86, %get3A_87] {strides = array<i32>} : memref<128x64xf32, #tpu.memory_space<vmem>>, vector<1x16xf32>,
        %get3A_89 = vector.shape_cast %get3A_88 : vector<1x16xf32> to vector<16xf32>
        %mul3A_90 = arith.mulf %get3A_7, %get3A_89 : vector<16xf32>
        %add3A_91 = arith.addf %mul3A_85, %mul3A_90 : vector<16xf32>
        %swap3A_92 = arith.index_cast %scan3A_33 : i32 to index
        %swap3A_93 = arith.constant 48 : index
        %swap3A_94 = tpu.vector_load %arg9[%swap3A_92, %swap3A_93] {strides = array<i32>} : memref<128x64xf32, #tpu.memory_space<vmem>>, vector<1x16xf32>,
        %swap3A_95 = vector.shape_cast %swap3A_94 : vector<1x16xf32> to vector<16xf32>
        %swap3A_96 = vector.shape_cast %add3A_91 : vector<16xf32> to vector<1x16xf32>
        tpu.vector_store %arg9[%swap3A_92, %swap3A_93], %swap3A_96 {strides = array<i32>} : memref<128x64xf32, #tpu.memory_space<vmem>>, vector<1x16xf32>,
      }
      %scan3A_32 = arith.constant 128 : i32
      "tpu.region"() ({
        %run_scoped3A = tpu.sem_alloc : memref<!tpu.dma_semaphore, #tpu.memory_space<semaphore_mem>>
        %dma_start3A_33 = arith.constant 0 : i32
        %dma_start3A_34 = tpu.memref_slice %arg7[%add3A_16, %dma_start3A_33] : memref<204800x64xf32, #tpu.memory_space<hbm>> -> memref<128x64xf32, #tpu.memory_space<hbm>>
        %dma_start3A_35 = arith.constant 0 : i32
        %dma_start3A_36 = tpu.memref_slice %arg7[%add3A_16, %dma_start3A_35] : memref<204800x64xf32, #tpu.memory_space<hbm>> -> memref<128x64xf32, #tpu.memory_space<hbm>>
        tpu.enqueue_dma source(%arg9 : memref<128x64xf32, #tpu.memory_space<vmem>>) target(%dma_start3A_36 : memref<128x64xf32, #tpu.memory_space<hbm>>) target_semaphore(%run_scoped3A : memref<!tpu.dma_semaphore, #tpu.memory_space<semaphore_mem>>)
        %dma_wait3A_37 = arith.constant 0 : i32
        %dma_wait3A_38 = tpu.memref_slice %arg7[%add3A_16, %dma_wait3A_37] : memref<204800x64xf32, #tpu.memory_space<hbm>> -> memref<128x64xf32, #tpu.memory_space<hbm>>
        %dma_wait3A_39 = arith.constant 0 : i32
        %dma_wait3A_40 = tpu.memref_slice %arg7[%add3A_16, %dma_wait3A_39] : memref<204800x64xf32, #tpu.memory_space<hbm>> -> memref<128x64xf32, #tpu.memory_space<hbm>>
        tpu.wait_dma2 semaphore(%run_scoped3A : memref<!tpu.dma_semaphore, #tpu.memory_space<semaphore_mem>>) src(%arg9 : memref<128x64xf32, #tpu.memory_space<vmem>>) dst(%dma_wait3A_40 : memref<128x64xf32, #tpu.memory_space<hbm>>)
        tpu.yield
      }) : () -> ()
    }
    %scan3A_12 = arith.constant 50 : i32
    return
  }
}

module attributes {stable_mosaic.version = 14 : i64} {
  func.func @_tc_body(%arg0: i32, %arg1: memref<1024x64xf32, #tpu.memory_space<vmem>>, %arg2: memref<1024x64xf32, #tpu.memory_space<vmem>>, %arg3: memref<1x64xf32, #tpu.memory_space<vmem>>, %arg4: memref<1x64xf32, #tpu.memory_space<vmem>>, %arg5: memref<64x256xf32, #tpu.memory_space<vmem>>, %arg6: memref<1x256xf32, #tpu.memory_space<vmem>>, %arg7: memref<256x64xf32, #tpu.memory_space<vmem>>, %arg8: memref<1x64xf32, #tpu.memory_space<vmem>>, %arg9: memref<1024x64xf32, #tpu.memory_space<vmem>>) attributes {dimension_semantics = [#tpu.dimension_semantics<arbitrary>], iteration_bounds = array<i64: 200>, scalar_prefetch = 0 : i64, scratch_operands = 0 : i64, tpu.core_type = #tpu.core_type<tc>, window_params = [{transform_indices = @transform_0, window_bounds = array<i64: 1024, 64>}, {transform_indices = @transform_1, window_bounds = array<i64: 1024, 64>}, {pipeline_mode = #tpu.pipeline_mode<synchronous>, transform_indices = @transform_2, window_bounds = array<i64: 1, 64>}, {pipeline_mode = #tpu.pipeline_mode<synchronous>, transform_indices = @transform_3, window_bounds = array<i64: 1, 64>}, {pipeline_mode = #tpu.pipeline_mode<synchronous>, transform_indices = @transform_4, window_bounds = array<i64: 64, 256>}, {pipeline_mode = #tpu.pipeline_mode<synchronous>, transform_indices = @transform_5, window_bounds = array<i64: 1, 256>}, {pipeline_mode = #tpu.pipeline_mode<synchronous>, transform_indices = @transform_6, window_bounds = array<i64: 256, 64>}, {pipeline_mode = #tpu.pipeline_mode<synchronous>, transform_indices = @transform_7, window_bounds = array<i64: 1, 64>}, {transform_indices = @transform_8, window_bounds = array<i64: 1024, 64>}]} {
    %get3A = arith.constant 0 : index
    %get3A_0 = arith.constant 0 : index
    %get3A_1 = vector.load %arg1[%get3A, %get3A_0] : memref<1024x64xf32, #tpu.memory_space<vmem>>, vector<1024x64xf32>
    %get3A_2 = arith.constant 0 : index
    %get3A_3 = arith.constant 0 : index
    %get3A_4 = vector.load %arg2[%get3A_2, %get3A_3] : memref<1024x64xf32, #tpu.memory_space<vmem>>, vector<1024x64xf32>
    %add3A = arith.addf %get3A_1, %get3A_4 : vector<1024x64xf32>
    %reduce_sum3A = arith.constant dense<0.000000e+00> : vector<1024xf32>
    %reduce_sum3A_5 = vector.multi_reduction <add>, %add3A, %reduce_sum3A [1] : vector<1024x64xf32> to vector<1024xf32>
    %broadcast_in_dim3A = vector.shape_cast %reduce_sum3A_5 : vector<1024xf32> to vector<1024x1xf32>
    %div3A = arith.constant 6.400000e+01 : f32
    %div3A_6 = vector.broadcast %div3A : f32 to vector<1024x1xf32>
    %div3A_7 = arith.divf %broadcast_in_dim3A, %div3A_6 : vector<1024x1xf32>
    %sub3A = vector.broadcast %div3A_7 : vector<1024x1xf32> to vector<1024x64xf32>
    %sub3A_8 = arith.subf %add3A, %sub3A : vector<1024x64xf32>
    %mul3A = arith.mulf %sub3A_8, %sub3A_8 : vector<1024x64xf32>
    %reduce_sum3A_9 = arith.constant dense<0.000000e+00> : vector<1024xf32>
    %reduce_sum3A_10 = vector.multi_reduction <add>, %mul3A, %reduce_sum3A_9 [1] : vector<1024x64xf32> to vector<1024xf32>
    %broadcast_in_dim3A_11 = vector.shape_cast %reduce_sum3A_10 : vector<1024xf32> to vector<1024x1xf32>
    %div3A_12 = arith.constant 6.400000e+01 : f32
    %div3A_13 = vector.broadcast %div3A_12 : f32 to vector<1024x1xf32>
    %div3A_14 = arith.divf %broadcast_in_dim3A_11, %div3A_13 : vector<1024x1xf32>
    %add3A_15 = arith.constant 9.99999974E-6 : f32
    %add3A_16 = vector.broadcast %add3A_15 : f32 to vector<1024x1xf32>
    %add3A_17 = arith.addf %div3A_14, %add3A_16 : vector<1024x1xf32>
    %rsqrt3A = math.rsqrt %add3A_17 : vector<1024x1xf32>
    %mul3A_18 = vector.broadcast %rsqrt3A : vector<1024x1xf32> to vector<1024x64xf32>
    %mul3A_19 = arith.mulf %sub3A_8, %mul3A_18 : vector<1024x64xf32>
    %get3A_20 = arith.constant 0 : index
    %get3A_21 = arith.constant 0 : index
    %get3A_22 = vector.load %arg3[%get3A_20, %get3A_21] : memref<1x64xf32, #tpu.memory_space<vmem>>, vector<1x64xf32>
    %mul3A_23 = vector.broadcast %get3A_22 : vector<1x64xf32> to vector<1024x64xf32>
    %mul3A_24 = arith.mulf %mul3A_19, %mul3A_23 : vector<1024x64xf32>
    %get3A_25 = arith.constant 0 : index
    %get3A_26 = arith.constant 0 : index
    %get3A_27 = vector.load %arg4[%get3A_25, %get3A_26] : memref<1x64xf32, #tpu.memory_space<vmem>>, vector<1x64xf32>
    %add3A_28 = vector.broadcast %get3A_27 : vector<1x64xf32> to vector<1024x64xf32>
    %add3A_29 = arith.addf %mul3A_24, %add3A_28 : vector<1024x64xf32>
    %get3A_30 = arith.constant 0 : index
    %get3A_31 = arith.constant 0 : index
    %get3A_32 = vector.load %arg5[%get3A_30, %get3A_31] : memref<64x256xf32, #tpu.memory_space<vmem>>, vector<64x256xf32>
    %dot_general3A = arith.constant dense<0.000000e+00> : vector<1024x256xf32>
    %dot_general3A_33 = tpu.matmul %add3A_29, %get3A_32, %dot_general3A {dimension_numbers = #tpu.dot_dimension_numbers<[1], [0], [0], [1], [0, 0, 1, 1], [], []>, transpose_lhs_hint = false} : vector<1024x64xf32>, vector<64x256xf32>, vector<1024x256xf32> -> vector<1024x256xf32>
    %get3A_34 = arith.constant 0 : index
    %get3A_35 = arith.constant 0 : index
    %get3A_36 = vector.load %arg6[%get3A_34, %get3A_35] : memref<1x256xf32, #tpu.memory_space<vmem>>, vector<1x256xf32>
    %add3A_37 = vector.broadcast %get3A_36 : vector<1x256xf32> to vector<1024x256xf32>
    %add3A_38 = arith.addf %dot_general3A_33, %add3A_37 : vector<1024x256xf32>
    %mul3A_39 = arith.constant 5.000000e-01 : f32
    %mul3A_40 = vector.broadcast %mul3A_39 : f32 to vector<1024x256xf32>
    %mul3A_41 = arith.mulf %mul3A_40, %add3A_38 : vector<1024x256xf32>
    %mul3A_42 = arith.constant 0.707106769 : f32
    %mul3A_43 = vector.broadcast %mul3A_42 : f32 to vector<1024x256xf32>
    %mul3A_44 = arith.mulf %add3A_38, %mul3A_43 : vector<1024x256xf32>
    %erf3A = math.erf %mul3A_44 : vector<1024x256xf32>
    %add3A_45 = arith.constant 1.000000e+00 : f32
    %add3A_46 = vector.broadcast %add3A_45 : f32 to vector<1024x256xf32>
    %add3A_47 = arith.addf %add3A_46, %erf3A : vector<1024x256xf32>
    %mul3A_48 = arith.mulf %mul3A_41, %add3A_47 : vector<1024x256xf32>
    %get3A_49 = arith.constant 0 : index
    %get3A_50 = arith.constant 0 : index
    %get3A_51 = vector.load %arg7[%get3A_49, %get3A_50] : memref<256x64xf32, #tpu.memory_space<vmem>>, vector<256x64xf32>
    %dot_general3A_52 = arith.constant dense<0.000000e+00> : vector<1024x64xf32>
    %dot_general3A_53 = tpu.matmul %mul3A_48, %get3A_51, %dot_general3A_52 {dimension_numbers = #tpu.dot_dimension_numbers<[1], [0], [0], [1], [0, 0, 1, 1], [], []>, transpose_lhs_hint = false} : vector<1024x256xf32>, vector<256x64xf32>, vector<1024x64xf32> -> vector<1024x64xf32>
    %get3A_54 = arith.constant 0 : index
    %get3A_55 = arith.constant 0 : index
    %get3A_56 = vector.load %arg8[%get3A_54, %get3A_55] : memref<1x64xf32, #tpu.memory_space<vmem>>, vector<1x64xf32>
    %add3A_57 = vector.broadcast %get3A_56 : vector<1x64xf32> to vector<1024x64xf32>
    %add3A_58 = arith.addf %dot_general3A_53, %add3A_57 : vector<1024x64xf32>
    %add3A_59 = arith.addf %add3A, %add3A_58 : vector<1024x64xf32>
    %swap3A = arith.constant 0 : index
    %swap3A_60 = arith.constant 0 : index
    %swap3A_61 = vector.load %arg9[%swap3A, %swap3A_60] : memref<1024x64xf32, #tpu.memory_space<vmem>>, vector<1024x64xf32>
    tpu.vector_store %arg9[%swap3A, %swap3A_60], %add3A_59 {strides = array<i32>} : memref<1024x64xf32, #tpu.memory_space<vmem>>, vector<1024x64xf32>,
    return
  }
  func.func @transform_0(%arg0: i32) -> (i32, i32) {
    %c0_i32 = arith.constant 0 : i32
    %c0_i32_0 = arith.constant 0 : i32
    return %arg0, %c0_i32 : i32, i32
  }
  func.func @transform_1(%arg0: i32) -> (i32, i32) {
    %c0_i32 = arith.constant 0 : i32
    %c0_i32_0 = arith.constant 0 : i32
    return %arg0, %c0_i32 : i32, i32
  }
  func.func @transform_2(%arg0: i32) -> (i32, i32) {
    %c0_i32 = arith.constant 0 : i32
    %c0_i32_0 = arith.constant 0 : i32
    %c0_i32_1 = arith.constant 0 : i32
    return %c0_i32, %c0_i32_0 : i32, i32
  }
  func.func @transform_3(%arg0: i32) -> (i32, i32) {
    %c0_i32 = arith.constant 0 : i32
    %c0_i32_0 = arith.constant 0 : i32
    %c0_i32_1 = arith.constant 0 : i32
    return %c0_i32, %c0_i32_0 : i32, i32
  }
  func.func @transform_4(%arg0: i32) -> (i32, i32) {
    %c0_i32 = arith.constant 0 : i32
    %c0_i32_0 = arith.constant 0 : i32
    %c0_i32_1 = arith.constant 0 : i32
    return %c0_i32, %c0_i32_0 : i32, i32
  }
  func.func @transform_5(%arg0: i32) -> (i32, i32) {
    %c0_i32 = arith.constant 0 : i32
    %c0_i32_0 = arith.constant 0 : i32
    %c0_i32_1 = arith.constant 0 : i32
    return %c0_i32, %c0_i32_0 : i32, i32
  }
  func.func @transform_6(%arg0: i32) -> (i32, i32) {
    %c0_i32 = arith.constant 0 : i32
    %c0_i32_0 = arith.constant 0 : i32
    %c0_i32_1 = arith.constant 0 : i32
    return %c0_i32, %c0_i32_0 : i32, i32
  }
  func.func @transform_7(%arg0: i32) -> (i32, i32) {
    %c0_i32 = arith.constant 0 : i32
    %c0_i32_0 = arith.constant 0 : i32
    %c0_i32_1 = arith.constant 0 : i32
    return %c0_i32, %c0_i32_0 : i32, i32
  }
  func.func @transform_8(%arg0: i32) -> (i32, i32) {
    %c0_i32 = arith.constant 0 : i32
    %c0_i32_0 = arith.constant 0 : i32
    return %arg0, %c0_i32 : i32, i32
  }
}

</mosaic_0001>

<sc_bundles>
// kernel: kernel.4.cloned.1.call-start
scs
__scs_entry_jumppad:
0x0: {  	(pc) =	sbr.rel $0x88, $3  }
0x1: {  	(tag) =	ssettag $0x0;
	lr =	simm.s32 $0x1  }
0x2: {  	[smem:$0x3F95] =	sst lr;
	_ =	strace $0xD0000000  }
0x3: {  	_ = 	snop  }
0x4: {  	_ = 	snop  }
0x5: {  	_ = 	snop  }
0x6: {  	_ = 	snop  }
0x7: {  	_ = 	snop  }
__scs_overlays_trampoline_lowered:
0x8: {  	[smem:$0x3FA4] =	sst s0  }
0x9: {  	[smem:$0x3FA5] =	sst s1  }
0xa: {  	[smem:$0x3FA6] =	sst s2  }
0xb: {  	[smem:$0x3FA7] =	sst s3  }
0xc: {  	[smem:$0x3FA8] =	sst s4  }
0xd: {  	[smem:$0x3FA9] =	sst s5  }
0xe: {  	[smem:$0x3FAA] =	sst s6  }
0xf: {  	[smem:$0x3FAB] =	sst s7  }
0x10: {  	[smem:$0x3FAC] =	sst s8  }
0x11: {  	[smem:$0x3FAD] =	sst s9;
	s0 =	simm.s32 @!p0 $0x0  }
0x12: {  	s1 =	sld [smem:$0x3F93];
	s0 =	simm.s32 @p0 $0x1  }
0x13: {  	[smem:$0x3FAE] =	sst s0;
	s0 =	simm.s32 @!p1 $0x0  }
0x14: {  	s2 =	sld [smem:$0x3F92];
	s0 =	simm.s32 @p1 $0x1  }
0x15: {  	[smem:$0x3FAF] =	sst s0;
	s0 =	simm.s32 @!p2 $0x0  }
0x16: {  	s3 =	sld [smem:$0x3FDB];
	s0 =	simm.s32 @p2 $0x1  }
0x17: {  	s4 =	simm.s32 $0x1BF5;
	[smem:$0x3FB1] =	sst s0  }
0x18: {  	s0 =	sld [smem:$0x3F94];
	_ =	swait.ge [sflag:s4], $0x0  }
0x19: {  	s7 =	sld [smem:$0x3F95]  }
0x1a: {  	s8 =	sadd.s32 $0xFFFFE003, lr  }
0x1b: {  	s9 =	sadd.s32 $0xFFFFFEF7, lr;
	s5 =	simm.s32 $0xFFFFFFFF;
	p2 =	slt.u32 s8, $0xFFFFF086  }
0x1c: {  	p1 =	slt.u32 s9, $0xF7A;
	s5 =	simm.s32 @!p2 $0x0  }
0x1d: {  	s5 =	simm.s32 @p1 $0x1;
	p0 =	seq.s32 s7, s2  }
0x1e: {  	s7 =	smul.u32 @!p0 $0xF7A, s2;
	p2 =	seq.s32 @!p0 s5, $0x0  }
0x1f: {  	s9 =	smul.u32 $0xF7A, s1;
	s8 =	simm.s32 @!p0 $0x1BF5;
	p2 =	por !p2, p0  }
0x20: {  	[sflag:s8] =	ssyncset.s32 @!p0 $0xFFFFF086;
	s6 =	sadd.s32 @!p0 s3, s7;
	s7 =	simm.s32 @!p0 $0x108  }
0x21: {  	s3 =	sadd.s32 s3, s9;
	s6 =	sadd.s32 @!p0 $0x88, s6;
	s7 =	simm.s32 @p2 $0x1082  }
0x22: {  	[simem:s7], [sflag:s8] =	dma.local @!p0 [hbm:s6], $0xF7A  }
0x23: {  	s9 =	sor.u32 $0xD0000000, s2;
	s6 =	simm.s32 $0x108;
	_ =	swait.ge @!p0 [sflag:s8], $0x0  }
0x24: {  	s3 =	sadd.s32 $0x88, s3;
	s6 =	simm.s32 @!p1 $0x1082;
	[sflag:s4] =	ssyncset.s32 $0xFFFFF086  }
0x25: {  	[simem:s6], [sflag:s4] =	dma.local [hbm:s3], $0xF7A  }
0x26: {  	[smem:$0x3F95] =	sst s1;
	(tag) =	ssettag s2;
	_ =	strace s9  }
0x27: {  	s1 =	sld [smem:$0x3FA5]  }
0x28: {  	s2 =	sld [smem:$0x3FA6]  }
0x29: {  	s4 =	sld [smem:$0x3FA8]  }
0x2a: {  	p0 =	seq.s32 s5, $0x0;
	s5 =	sld [smem:$0x3FA9]  }
0x2b: {  	s6 =	sld [smem:$0x3FAA]  }
0x2c: {  	s7 =	sld [smem:$0x3FAB]  }
0x2d: {  	s3 =	simm.s32 $0x108;
	s8 =	sld [smem:$0x3FAC]  }
0x2e: {  	s3 =	simm.s32 @!p0 $0x1082;
	s9 =	sld [smem:$0x3FAD]  }
0x2f: {  	lr =	sadd.s32 s0, s3;
	s0 =	sld [smem:$0x3FA4]  }
0x30: {  	s3 =	sld [smem:$0x3FA7]  }
0x31: {  	[smem:$0x3FB0] =	sst s10  }
0x32: {  	s10 =	sld [smem:$0x3FAE];
	_ =	sdelay $0x3  }
0x33: {  	p0 =	seq.s32 s10, $0x1;
	s10 =	sld [smem:$0x3FB0];
	_ =	sdelay $0x3  }
0x34: {  	[smem:$0x3FB0] =	sst s10  }
0x35: {  	s10 =	sld [smem:$0x3FAF];
	_ =	sdelay $0x3  }
0x36: {  	p1 =	seq.s32 s10, $0x1;
	s10 =	sld [smem:$0x3FB0];
	_ =	sdelay $0x3  }
0x37: {  	[smem:$0x3FB0] =	sst s10  }
0x38: {  	s10 =	sld [smem:$0x3FB1]  }
0x39: {  	_ = 	snop;
	(pc) =	sbr.ind lr, $3  }
0x3a: {  	_ = 	snop  }
0x3b: {  	_ = 	snop  }
0x3c: {  	p2 =	seq.s32 s10, $0x1;
	s10 =	sld [smem:$0x3FB0]  }
0x3d: {  	_ =	shalt  }
0x3e: {  	_ =	shalt  }
0x3f: {  	_ =	shalt  }
0x40: {  	_ =	shalt  }
0x41: {  	_ =	shalt  }
0x42: {  	_ =	shalt  }
0x43: {  	_ =	shalt  }
0x44: {  	_ =	shalt  }
0x45: {  	_ =	shalt  }
0x46: {  	_ =	shalt  }
0x47: {  	_ =	shalt  }
0x48: {  	_ =	shalt  }
0x49: {  	_ =	shalt  }
0x4a: {  	_ =	shalt  }
0x4b: {  	_ =	shalt  }
0x4c: {  	_ =	shalt  }
0x4d: {  	_ =	shalt  }
0x4e: {  	_ =	shalt  }
0x4f: {  	_ =	shalt  }
0x50: {  	_ =	shalt  }
0x51: {  	_ =	shalt  }
0x52: {  	_ =	shalt  }
0x53: {  	_ =	shalt  }
0x54: {  	_ =	shalt  }
0x55: {  	_ =	shalt  }
0x56: {  	_ =	shalt  }
0x57: {  	_ =	shalt  }
0x58: {  	_ =	shalt  }
0x59: {  	_ =	shalt  }
0x5a: {  	_ =	shalt  }
0x5b: {  	_ =	shalt  }
0x5c: {  	_ =	shalt  }
0x5d: {  	_ =	shalt  }
0x5e: {  	_ =	shalt  }
0x5f: {  	_ =	shalt  }
0x60: {  	_ =	shalt  }
0x61: {  	_ =	shalt  }
0x62: {  	_ =	shalt  }
0x63: {  	_ =	shalt  }
0x64: {  	_ =	shalt  }
0x65: {  	_ =	shalt  }
0x66: {  	_ =	shalt  }
0x67: {  	_ =	shalt  }
0x68: {  	_ =	shalt  }
0x69: {  	_ =	shalt  }
0x6a: {  	_ =	shalt  }
0x6b: {  	_ =	shalt  }
0x6c: {  	_ =	shalt  }
0x6d: {  	_ =	shalt  }
0x6e: {  	_ =	shalt  }
0x6f: {  	_ =	shalt  }
0x70: {  	_ =	shalt  }
0x71: {  	_ =	shalt  }
0x72: {  	_ =	shalt  }
0x73: {  	_ =	shalt  }
0x74: {  	_ =	shalt  }
0x75: {  	_ =	shalt  }
0x76: {  	_ =	shalt  }
0x77: {  	_ =	shalt  }
0x78: {  	_ =	shalt  }
0x79: {  	_ =	shalt  }
0x7a: {  	_ =	shalt  }
0x7b: {  	_ =	shalt  }
0x7c: {  	_ =	shalt  }
0x7d: {  	_ =	shalt  }
0x7e: {  	_ =	shalt  }
0x7f: {  	_ =	shalt  }
0x80: {  	_ =	shalt  }
0x81: {  	_ =	shalt  }
0x82: {  	_ =	shalt  }
0x83: {  	_ =	shalt  }
0x84: {  	_ =	shalt  }
0x85: {  	_ =	shalt  }
0x86: {  	_ =	shalt  }
0x87: {  	_ =	shalt  }
.Lfunc_end0:
.L_simem_size_0:
called_computation.1_lowered:
.L_overlay_start_0:
0x88: {  	s2 =	sld [smem:$0x3FD9]  }
0x89: {  	s3 =	sld [smem:$0x3FFE];
	_ =	sdelay $0x1  }
0x8a: {  	s1 =	srdreg.scid  }
0x8b: {  	s0 =	sand.u32 $0x1, s1  }
0x8c: {  	s17 =	sshll.u32 s0, $0xA;
	s2 =	sadd.s32 s3, s2  }
0x8d: {  	s2 =	sadd.s32 s2, s17  }
0x8e: {  	[smem:$0x3FBC] =	sst s2  }
0x8f: {  	_ = 	snop  }
0x90: {  	s2 =	sld [smem:$0x3FD0];
	(tm) =	ssettm $0x1  }
0x91: {  	s18 =	sld [smem:$0x3FFB];
	_ =	sdelay $0x3  }
0x92: {  	_ =	strace s18  }
0x93: {  	s3 =	sld [smem:$0x3FFC];
	_ =	sdelay $0x3  }
0x94: {  	_ =	strace s3  }
0x95: {  	s3 =	sld [smem:$0x3FFD];
	_ =	sdelay $0x3  }
0x96: {  	_ =	strace s3  }
0x97: {  	_ =	strace $0x8FFFFFFF  }
0x98: {  	s19 =	sld [smem:$0x3FDB];
	_ =	sdelay $0x1  }
0x99: {  	s4 =	simm.s32 $_scs_section_size  }
0x9a: {  	s5 =	simm.s32 $_size__tile_overlayer_lowered;
	s6 =	simm.s32 $_tile_overlayer_lowered  }
0x9b: {  	s22 =	simm.s32 $0x1BFF;
	s21 =	sshll.u32 s6, $0x1;
	s3 =	sadd.s32 s4, s19  }
0x9c: {  	s7 =	simm.s32 $0x0;
	s20 =	sshll.u32 s5, $0x1;
	s5 =	sadd.s32 s21, s3  }
0x9d: {  	[timem:s7], [sflag:s22] =	dma.local [hbm:s5], s20  }
0x9e: {  	_ =	swait.ge [sflag:s22], s20  }
0x9f: {  	s4 =	ssub.s32 $0x0, s20;
	[sflag:s22] =	ssyncset.done $0x0  }
0xa0: {  	[sflag:s22] =	ssyncadd.s32 s4;
	_ =	sdelay $0x1  }
0xa1: {  	s23 =	simm.s32 $0x1B8B  }
0xa2: {  	_ =	swait.ge [sflag:s23], $0x1  }
0xa3: {  	[sflag:s23] =	ssyncset.done $0x0  }
0xa4: {  	s25 =	simm.s32 $0x1B8E;
	s24 =	sld [smem:$0x3FFE];
	[sflag:s23] =	ssyncadd.s32 $0xFFFFFFFF  }
0xa5: {  	s26 =	simm.s32 $execute0_lowered;
	[smem:$0x3FD2] =	sst s25  }
0xa6: {  	s5 =	sshll.u32 s26, $0x1;
	_ =	strace $0x80000046;
	[dreg:$0x1] =	wrdreg $0xFFFFFFFF  }
0xa7: {  	s28 =	simm.s32 $_size_execute0_lowered;
	s3 =	sadd.s32 s3, s5;
	[dreg:$0x0] =	wrdreg $0x0  }
0xa8: {  	s5 =	sshll.u32 s28, $0x1;
	[dreg:$0x2] =	wrdreg s3  }
0xa9: {  	[dreg:$0x3] =	wrdreg s5  }
0xaa: {  	[dreg:$0x4] =	wrdreg $0xC0  }
0xab: {  	_ =	task [dreg:s7], $0x5FFFF  }
0xac: {  	[dreg:$0x1] =	wrdreg $0xFFFFFFFF  }
0xad: {  	[dreg:$0x0] =	wrdreg $0x60  }
0xae: {  	[dreg:$0x2] =	wrdreg s24  }
0xaf: {  	[dreg:$0x3] =	wrdreg s2  }
0xb0: {  	[dreg:$0x4] =	wrdreg $0x9  }
0xb1: {  	_ =	task.clear_ibuf [dreg:s7], $0x5FFFF;
	_ =	strace $0x90000046  }
0xb2: {  	s29 =	simm.s32 $0x9;
	_ =	strace $0x80000048  }
0xb3: {  	_ =	swait.ge [sflag:s29], $0x1  }
0xb4: {  	[sflag:s29] =	ssyncadd.s32 $0xFFFFFFFF  }
0xb5: {  	_ =	strace $0x90000048  }
0xb6: {  	_ =	sfence  }
0xb7: {  	s30 =	sld [smem:$0x0];
	_ =	sdelay $0x2  }
0xb8: {  	s31 =	sshll.u32 s1, $0xD;
	s1 =	sshrl.u32 s1, $0x2  }
0xb9: {  	s3 =	sand.u32 $0x4000, s31;
	s1 =	sadd.s32 s1, s30  }
0xba: {  	s0 =	sor.u32 s3, s0;
	s1 =	sshll.u32 s1, $0x11  }
0xbb: {  	s0 =	sor.u32 s1, s0  }
0xbc: {  	s0 =	sadd.s32 $0x8F2B, s0  }
0xbd: {  	[sflag:s0] =	ssyncadd.remote.s32 $0x1  }
0xbe: {  	_ =	sfence.sel $0xFFFF  }
0xbf: {  	[dreg:$0x0] =	wrdreg $0xFFFFFFFF;
	(pc) =	sbr.abs _section_cstart, $3  }
0xc0: {  	[dreg:$0x1] =	wrdreg $0xFFFFFFFF  }
0xc1: {  	_ =	task.clear_ibuf [dreg:s7], $0x2FFFF;
	_ =	strace $0x9FFFFFFF  }
0xc2: {  	(tm) =	ssettm $0x7FFFFFFF  }
0xc3: {  	_ =	shalt  }
tec
execute0_lowered:
.L_overlay_start_1:
0x0: {  	(tag) =	ssettag $0x1  }
0x1: {  	s8 =	rddreg [dreg:$0x0]  }
0x2: {  	s1 =	rddreg [dreg:$0x1]  }
0x3: {  	s0 =	rddreg [dreg:$0x2];
	s2 =	simm.s32 $0x0  }
0x4: {  	s3 =	srdreg.scid;
	s13 =	simm.s32 $0x4090;
	s14 =	simm.s32 $0x80  }
0x5: {  	s15 =	simm.s32 $0x2080;
	s16 =	simm.s32 $0x1;
	s17 =	simm.s32 $0x0  }
0x6: {  	[smem:$0x7FF] =	sst s2;
	s4 =	sadd.s32 $0x1600, s8;
	s5 =	sadd.s32 $0x16E4C00, s8  }
0x7: {  	s9 =	sand.u32 $0x1, s3;
	s6 =	sadd.s32 $0xF43A00, s8;
	s3 =	stileid.u32  }
0x8: {  	s7 =	sadd.s32 $0x7C00, s8;
	s8 =	sadd.s32 $0x7A00, s8;
	s10 =	ssub.s32 $0x2, s9  }
0x9: {  	_ =	strace $0x80000047;
	s12 =	sshll.u32 s3, $0x1;
	s11 =	sshrl.u32 s10, $0x1  }
0xa: {  	s9 =	sor.u32 s9, s12;
	s12 =	simm.s32 $0x2;
	s10 =	ssub.s32 s10, s11  }
0xb: {  	s9 =	smul.u32 $0x1900, s9;
	s11 =	simm.s32 $0x4080;
	s10 =	smax.u32 s10, $0x1  }
.LBB2_1:
0xc: {  	[tilespmem:s11], [sflag:$0x2] =	stream.linear.gather [hbm4b:s7+s2], $0x10, $0x38;
	[tilespmem:$0x40A0] =	vst v63  }
0xd: {  	_ =	swait.ge [sflag:s12], $0x10  }
0xe: {  	[sflag:s12] =	ssyncset.done $0x0  }
0xf: {  	[sflag:s12] =	ssyncadd.s32 $0xFFFFFFF0  }
0x10: {  	[tilespmem:s13], [sflag:$0x2] =	stream.linear.gather [hbm4b:s8+s2], $0x10, $0x38;
	[tilespmem:$0x40A0] =	vst v63  }
0x11: {  	_ =	swait.ge [sflag:s12], $0x10  }
0x12: {  	[sflag:s12] =	ssyncset.done $0x0  }
0x13: {  	[sflag:s12] =	ssyncadd.s32 $0xFFFFFFF0  }
0x14: {  	v0 =	vld [tilespmem:$0x4080]  }
0x15: {  	v1 =	vld [tilespmem:$0x4090];
	_ =	sdelay $0x1  }
0x16: {  	s18 =	simm.s32 $0x0  }
.LBB2_2:
0x17: {  	s19 =	sshll.u32 s18, $0x7  }
0x18: {  	s19 =	sadd.s32 s9, s19  }
0x19: {  	s20 =	sshrl.u32 s19, $0x3  }
0x1a: {  	s21 =	simm.s32 $0x0;
	s20 =	sadd.s32 s4, s20  }
0x1b: {  	[tilespmem:s21], [sflag:$0x2] =	stream.linear.gather [hbm4b:s20+s21], $0x80, $0x38;
	[tilespmem:$0x40A0] =	vst v63  }
0x1c: {  	_ =	swait.ge [sflag:s12], $0x80  }
0x1d: {  	[sflag:s12] =	ssyncset.done $0x0  }
0x1e: {  	[sflag:s12] =	ssyncadd.s32 $0xFFFFFF80  }
0x1f: {  	[tilespmem:s14], [sflag:$0x1] =	stream.indirect.gather [hbm4b:s5+s14], $0x40, s21, s14, $0xb8;
	[tilespmem:$0x40A0] =	vst v63  }
0x20: {  	_ = 	snop  }
0x21: {  	[tilespmem:s15], [sflag:$0x1] =	stream.indirect.gather [hbm4b:s6+s14], $0x40, s21, s14, $0xb8;
	[tilespmem:$0x40A0] =	vst v63  }
0x22: {  	_ =	swait.ge [sflag:s16], $0x2000  }
0x23: {  	[sflag:s16] =	ssyncset.done $0x0  }
0x24: {  	[sflag:s16] =	ssyncadd.s32 $0xFFFFE000  }
0x25: {  	_ =	swait.ge [sflag:s16], $0x2000  }
0x26: {  	[sflag:s16] =	ssyncset.done $0x0  }
0x27: {  	s20 =	simm.s32 $0x0;
	[sflag:s16] =	ssyncadd.s32 $0xFFFFE000  }
0x28: {  	v5 =	vld [tilespmem:s20+$0x2080]  }
0x29: {  	v4 =	vld [tilespmem:s20+$0x2090]  }
0x2a: {  	v3 =	vld [tilespmem:s20+$0x20A0]  }
0x2b: {  	v2 =	vld [tilespmem:s20+$0x20B0]  }
0x2c: {  	v8 =	vld [tilespmem:s20+$0x80]  }
0x2d: {  	v7 =	vld [tilespmem:s20+$0x90]  }
0x2e: {  	s21 =	simm.s32 $0x100;
	v6 =	vld [tilespmem:s20+$0xA0]  }
.LBB2_3:
0x2f: {  	p0 =	sne.s32 s21, $0x7F00;
	v9 =	vld [tilespmem:s20+$0xB0];
	_ =	sdelay $0x1  }
0x30: {  	s22 =	sshra.s32 s21, $0x2;
	v10 =	vmul.f32 v5, v1;
	v8 =	vmul.f32 v8, v0  }
0x31: {  	v11 =	vmul.f32 v4, v1;
	v5 =	vld [tilespmem:s22+$0x2080];
	v7 =	vmul.f32 v7, v0  }
0x32: {  	v4 =	vld [tilespmem:s22+$0x2090];
	v8 =	vadd.f32 v10, v8;
	v6 =	vmul.f32 v6, v0;
	v10 =	vmul.f32 v3, v1  }
.Ltmp0:
0x33: {  	v3 =	vld [tilespmem:s22+$0x20A0];
	v7 =	vadd.f32 v11, v7;
	v9 =	vmul.f32 v9, v0;
	v11 =	vmul.f32 v2, v1;
	(pc) =	sbr.rel @p0 .LBB2_3-.Ltmp0, $4  }
0x34: {  	v2 =	vld [tilespmem:s22+$0x20B0];
	[tilespmem:s20+$0x80] =	vst v8;
	v6 =	vadd.f32 v10, v6  }
0x35: {  	v8 =	vld [tilespmem:s22+$0x80];
	[tilespmem:s20+$0x90] =	vst v7;
	v9 =	vadd.f32 v11, v9  }
0x36: {  	v7 =	vld [tilespmem:s22+$0x90];
	[tilespmem:s20+$0xA0] =	vst v6  }
0x37: {  	s21 =	sadd.s32 $0x100, s21;
	v6 =	vld [tilespmem:s22+$0xA0];
	[tilespmem:s20+$0xB0] =	vst v9;
	s20 =	smov.u32 s22  }
0x38: {  	v9 =	vld [tilespmem:s20+$0xB0];
	_ =	sdelay $0x1  }
0x39: {  	v5 =	vmul.f32 v5, v1;
	v8 =	vmul.f32 v8, v0  }
0x3a: {  	v4 =	vmul.f32 v4, v1;
	v7 =	vmul.f32 v7, v0  }
0x3b: {  	v3 =	vmul.f32 v3, v1;
	v5 =	vadd.f32 v5, v8;
	v6 =	vmul.f32 v6, v0  }
0x3c: {  	v2 =	vmul.f32 v2, v1;
	v4 =	vadd.f32 v4, v7;
	v63 =	vmul.f32 v9, v0  }
0x3d: {  	[tilespmem:s20+$0x80] =	vst v5;
	v3 =	vadd.f32 v3, v6  }
0x3e: {  	s18 =	sadd.s32 $0x1, s18;
	[tilespmem:s20+$0x90] =	vst v4;
	v2 =	vadd.f32 v2, v63  }
0x3f: {  	s19 =	sshll.u32 s19, $0x3;
	p0 =	sne.s32 s18, $0x32;
	[tilespmem:s20+$0xA0] =	vst v3  }
.Ltmp1:
0x40: {  	s19 =	sadd.s32 s1, s19;
	[tilespmem:s20+$0xB0] =	vst v2;
	(pc) =	sbr.rel @p0 .LBB2_2-.Ltmp1, $4  }
0x41: {  	[hbm4b:s19+s2] =	stream.linear.scatter [tilespmem:s14], [sflag:$0x2], $0x2000, $0x38;
	[tilespmem:$0x40A0] =	vst v63  }
0x42: {  	_ =	swait.ge [sflag:s12], $0x2000  }
0x43: {  	[sflag:s12] =	ssyncset.done $0x0  }
0x44: {  	[sflag:s12] =	ssyncadd.s32 $0xFFFFE000  }
0x45: {  	s17 =	sadd.s32 $0x1, s17  }
0x46: {  	p0 =	sne.s32 s17, s10  }
.Ltmp2:
0x47: {  	_ = 	snop;
	(pc) =	sbr.rel @p0 .LBB2_1-.Ltmp2, $1  }
0x48: {  	_ =	sdelay $0x3  }
0x49: {  	_ =	sfence.sel $0x180000  }
0x4a: {  	[bflag:$0x0] =	sbarrier.arrive $0xFFFF  }
0x4b: {  	p0 =	sne.s32 s3, $0x0;
	_ =	strace $0x90000047  }
0x4c: {  	s0 =	sadd.s32 @!p0 $0x100000, s0;
	[bflag:$0x2] =	sbarrier.arrive $0xFFFF  }
0x4d: {  	[sflag:s0] =	ssyncadd.tile.s32 @!p0 $0x1;
	_ =	shalt  }
.Lfunc_end2:
_tile_overlayer_lowered:
.L_overlay_start_2:
0x4e: {  	(tag) =	ssettag $0x2  }
0x4f: {  	s0 =	rddreg [dreg:$0x0];
	s2 =	stileid.u32  }
0x50: {  	s1 =	rddreg [dreg:$0x1];
	p0 =	sne.s32 s2, $0x0  }
0x51: {  	s3 =	rddreg [dreg:$0x2];
	[bflag:$0x3] =	sbarrier.arrive $0xFFFF;
	s2 =	simm.s32 @!p0 $0x1C02  }
0x52: {  	[timem:s3], [sflag:s2] =	dma.local @!p0 [hbm:s0], s1  }
0x53: {  	s0 =	simm.s32 @!p0 $0x2  }
0x54: {  	_ =	swait.ge @!p0 [sflag:s0], s1  }
0x55: {  	s1 =	ssub.s32 @!p0 $0x0, s1;
	[sflag:s0] =	ssyncset.done @!p0 $0x0  }
0x56: {  	[sflag:s0] =	ssyncadd.s32 @!p0 s1  }
0x57: {  	[bflag:$0x3] =	sbarrier.arrive $0xFFFF  }
0x58: {  	_ =	shalt  }

// kernel: sparse-core-data-format-call.cloned.1.call-start
scs
called_computation_lowered:
.L_overlay_start_0:
0x0: {  	s2 =	sld [smem:$0x3FD9]  }
0x1: {  	s3 =	sld [smem:$0x3FFE];
	_ =	sdelay $0x1  }
0x2: {  	s1 =	srdreg.scid  }
0x3: {  	s0 =	sand.u32 $0x1, s1  }
0x4: {  	s18 =	sshll.u32 s0, $0xA;
	s2 =	sadd.s32 s3, s2  }
0x5: {  	s2 =	sadd.s32 s2, s18  }
0x6: {  	[smem:$0x3FBC] =	sst s2  }
0x7: {  	_ = 	snop  }
0x8: {  	s2 =	sld [smem:$0x3FD0];
	(tm) =	ssettm $0x1  }
0x9: {  	s19 =	sld [smem:$0x3FFB];
	_ =	sdelay $0x3  }
0xa: {  	_ =	strace s19  }
0xb: {  	s3 =	sld [smem:$0x3FFC];
	_ =	sdelay $0x3  }
0xc: {  	_ =	strace s3  }
0xd: {  	s3 =	sld [smem:$0x3FFD];
	_ =	sdelay $0x3  }
0xe: {  	_ =	strace s3  }
0xf: {  	_ =	strace $0x8FFFFFFF  }
0x10: {  	s20 =	sld [smem:$0x3FDB];
	_ =	sdelay $0x1  }
0x11: {  	s4 =	simm.s32 $_scs_section_size  }
0x12: {  	s5 =	simm.s32 $_size__tile_overlayer_lowered;
	s6 =	simm.s32 $_tile_overlayer_lowered  }
0x13: {  	s23 =	simm.s32 $0x1BFF;
	s22 =	sshll.u32 s6, $0x1;
	s3 =	sadd.s32 s4, s20  }
0x14: {  	s7 =	simm.s32 $0x0;
	s21 =	sshll.u32 s5, $0x1;
	s5 =	sadd.s32 s22, s3  }
0x15: {  	[timem:s7], [sflag:s23] =	dma.local [hbm:s5], s21  }
0x16: {  	_ =	swait.ge [sflag:s23], s21  }
0x17: {  	s4 =	ssub.s32 $0x0, s21;
	[sflag:s23] =	ssyncset.done $0x0  }
0x18: {  	[sflag:s23] =	ssyncadd.s32 s4;
	_ =	sdelay $0x1  }
0x19: {  	s24 =	simm.s32 $0x1B8B  }
0x1a: {  	_ =	swait.ge [sflag:s24], $0x1  }
0x1b: {  	[sflag:s24] =	ssyncset.done $0x0  }
0x1c: {  	s26 =	simm.s32 $0x1B8E;
	s25 =	sld [smem:$0x3FFE];
	[sflag:s24] =	ssyncadd.s32 $0xFFFFFFFF  }
0x1d: {  	s27 =	simm.s32 $execute0_lowered;
	[smem:$0x3FD2] =	sst s26  }
0x1e: {  	s5 =	sshll.u32 s27, $0x1;
	_ =	strace $0x80000049;
	[dreg:$0x1] =	wrdreg $0xFFFFFFFF  }
0x1f: {  	s28 =	simm.s32 $_size_execute0_lowered;
	s3 =	sadd.s32 s3, s5;
	[dreg:$0x0] =	wrdreg $0x0  }
0x20: {  	s5 =	sshll.u32 s28, $0x1;
	[dreg:$0x2] =	wrdreg s3  }
0x21: {  	[dreg:$0x3] =	wrdreg s5  }
0x22: {  	[dreg:$0x4] =	wrdreg $0xC0  }
0x23: {  	_ =	task [dreg:s7], $0x5FFFF  }
0x24: {  	[dreg:$0x1] =	wrdreg $0xFFFFFFFF  }
0x25: {  	[dreg:$0x0] =	wrdreg $0x60  }
0x26: {  	[dreg:$0x2] =	wrdreg s25  }
0x27: {  	[dreg:$0x3] =	wrdreg s2  }
0x28: {  	[dreg:$0x4] =	wrdreg $0x9  }
0x29: {  	_ =	task.clear_ibuf [dreg:s7], $0x5FFFF;
	_ =	strace $0x90000049  }
0x2a: {  	s29 =	simm.s32 $0x9;
	_ =	strace $0x8000004B  }
0x2b: {  	_ =	swait.ge [sflag:s29], $0x1  }
0x2c: {  	[sflag:s29] =	ssyncadd.s32 $0xFFFFFFFF  }
0x2d: {  	_ =	strace $0x9000004B  }
0x2e: {  	_ =	sfence  }
0x2f: {  	s30 =	sld [smem:$0x0];
	_ =	sdelay $0x2  }
0x30: {  	s31 =	sshll.u32 s1, $0xD;
	s1 =	sshrl.u32 s1, $0x2  }
0x31: {  	s3 =	sand.u32 $0x4000, s31;
	s1 =	sadd.s32 s1, s30  }
0x32: {  	s0 =	sor.u32 s3, s0;
	s1 =	sshll.u32 s1, $0x11  }
0x33: {  	s0 =	sor.u32 s1, s0  }
0x34: {  	s0 =	sadd.s32 $0x8F2B, s0  }
0x35: {  	[sflag:s0] =	ssyncadd.remote.s32 $0x1  }
0x36: {  	_ =	sfence.sel $0xFFFF  }
0x37: {  	[dreg:$0x0] =	wrdreg $0xFFFFFFFF;
	(pc) =	sbr.abs _section_cstart, $3  }
0x38: {  	[dreg:$0x1] =	wrdreg $0xFFFFFFFF  }
0x39: {  	_ =	task.clear_ibuf [dreg:s7], $0x2FFFF;
	_ =	strace $0x9FFFFFFF  }
0x3a: {  	(tm) =	ssettm $0x7FFFFFFF  }
0x3b: {  	_ =	shalt  }
tec
execute0_lowered:
.L_overlay_start_1:
0x0: {  	(tag) =	ssettag $0x1  }
0x1: {  	s0 =	stileid.u32;
	s6 =	rddreg [dreg:$0x0]  }
0x2: {  	s2 =	rddreg [dreg:$0x1];
	s5 =	srdreg.scid  }
0x3: {  	s31 =	simm.s32 $0x2;
	s13 =	simm.s32 $0x0;
	s1 =	sshll.u32 s0, $0x7  }
0x4: {  	s14 =	simm.s32 $0x0;
	s12 =	simm.s32 $0x0;
	s3 =	sand.u32 $0x380, s1  }
0x5: {  	s5 =	sshll.u32 s5, $0x4;
	s6 =	sadd.s32 $0x647E00, s6;
	s4 =	ssub.s32 $0x400, s3  }
0x6: {  	s1 =	rddreg [dreg:$0x2];
	_ =	strace $0x8000004A;
	s7 =	sand.u32 $0x380, s4  }
0x7: {  	s5 =	sand.u32 $0x10, s5;
	p0 =	sne.s32 s7, $0x0;
	s7 =	simm.s32 $0x1  }
.Ltmp0:
0x8: {  	s8 =	sshrl.u32 s4, $0xA;
	s7 =	simm.s32 @!p0 $0x0;
	(pc) =	sbr.rel .LBB1_1-.Ltmp0, $4  }
0x9: {  	s9 =	sor.u32 s0, s5;
	s4 =	simm.s32 $0x1;
	s30 =	sadd.s32 s7, s8  }
0xa: {  	s11 =	smov.u32 s3;
	[sflag:s4] =	ssyncpa.u1 $0x0;
	s5 =	smul.u32 $0x32, s30  }
0xb: {  	[sflag:s31] =	ssyncpa.u1 $0x0;
	p0 =	por $0x0, $0x0;
	s7 =	sshrl.u32 s9, $0x3  }
0xc: {  	s9 =	simm.s32 $0x2000;
	s10 =	smov.u32 s7;
	s8 =	sor.u32 $0x1, s5  }
.LBB1_4:
0xd: {  	s17 =	sand.u32 $0x1F80, s14;
	s13 =	sshll.u32 s13, $0xD  }
0xe: {  	[tilespmem:s16+$0x810 ss:$0x81] =	vst.msk $0xffff, v2;
	s18 =	sshrl.u32 s14, $0x3;
	s31 =	sand.u32 $0x7, s14;
	s17 =	sadd.s32 s2, s17  }
0xf: {  	[tilespmem:s16+$0x1020 ss:$0x81] =	vst.msk $0xffff, v0;
	s18 =	sand.u32 $0xF, s18;
	s14 =	sshll.u32 s31, $0x12;
	s13 =	sadd.s32 s13, s17  }
0x10: {  	[tilespmem:s16+$0x0 ss:$0x81] =	vst.msk $0xffff, v1;
	s14 =	sor.u32 $0x400, s14;
	s13 =	sadd.s32 s18, s13  }
0x11: {  	[hbm4b:s13+s14] =	stream.strided.scatter [tilespmem:s15], [sflag:$0x2], $0x2000, s9, s14, $0x20;
	[tilespmem:$0x8080] =	vst v63  }
.LBB1_5:
0x12: {  	s15 =	sadd.s32 $0x4, s10  }
0x13: {  	s13 =	sadd.s32 $0x400, s11;
	s17 =	smov.u32 s11;
	p2 =	sgt.s32 s15, $0xC7  }
0x14: {  	s17 =	smov.u32 @p2 s13  }
0x15: {  	s15 =	smov.u32 @p2 s7;
	p2 =	sgt.s32 s17, $0x3FF  }
0x16: {  	s17 =	smov.u32 @p2 s3;
	p2 =	sne.s32 s12, s8  }
.Ltmp1:
0x17: {  	p1 =	slt.u32 s12, $0x2;
	(pc) =	sbr.rel @!p2 .LBB1_6-.Ltmp1, $4  }
0x18: {  	s16 =	simm.s32 @!p1 $0x2  }
0x19: {  	s14 =	smov.u32 s11;
	p0 =	por !p0, !p0;
	_ =	swait.ge @!p1 [sflag:s16], $0x2000  }
0x1a: {  	s13 =	smov.u32 s10;
	[sflag:s16] =	ssyncset.done @!p1 $0x0;
	s10 =	smov.u32 s15  }
0x1b: {  	s12 =	sadd.s32 $0x1, s12;
	[sflag:s16] =	ssyncadd.s32 @!p1 $0xFFFFE000;
	s11 =	smov.u32 s17  }
.LBB1_1:
0x1c: {  	p1 =	sge.u32 s12, s5  }
0x1d: {  	s15 =	sand.u32 @!p1 $0x1FFFFFF, s10  }
0x1e: {  	s16 =	smulhi.u32 @!p1 $0x147AE15, s15;
	_ =	sdelay $0x1  }
0x1f: {  	s16 =	smul.u32 @!p1 $0xC8, s16  }
0x20: {  	s17 =	sxor.u32 @!p1 $0xFFFFFFFF, s12;
	s18 =	smul.u32 @!p1 $0xC80, s11  }
0x21: {  	s31 =	sadd.s32 $0xFFFFFFFF, s12;
	s17 =	sshll.u32 @!p1 s17, $0xD;
	s15 =	ssub.s32 @!p1 s15, s16  }
0x22: {  	s16 =	sand.u32 @!p1 $0x2000, s17;
	s17 =	sadd.s32 @!p1 s6, s18;
	s15 =	sshll.u32 @!p1 s15, $0x4  }
0x23: {  	s18 =	simm.s32 @!p1 $0x6400;
	s15 =	sadd.s32 @!p1 s15, s17;
	s17 =	simm.s32 @!p1 $0x40  }
0x24: {  	[tilespmem:s16], [sflag:$0x1] =	stream.strided.gather @!p1 [hbm4b:s15+s17], $0x2000, s18, s17, $0x38;
	[tilespmem:$0x8080] =	vst v63  }
0x25: {  	p1 =	sge.u32 s31, s5  }
.Ltmp2:
0x26: {  	_ = 	snop;
	(pc) =	sbr.rel @p1 .LBB1_5-.Ltmp2, $1  }
0x27: {  	_ =	sdelay $0x3  }
0x28: {  	s15 =	simm.s32 $0x1  }
0x29: {  	_ =	swait.ge [sflag:s4], $0x2000;
	s15 =	simm.s32 @!p0 $0x0  }
0x2a: {  	[sflag:s4] =	ssyncset.done $0x0;
	s16 =	sshll.u32 s15, $0xD  }
0x2b: {  	[sflag:s4] =	ssyncadd.s32 $0xFFFFE000;
	s19 =	sor.u32 $0x20, s16  }
0x2c: {  	s15 =	smul.u32 $0x8100, s15;
	v3 =	vld [tilespmem:s19+$0x10]  }
0x2d: {  	s30 =	sand.u32 $0x1, s12;
	v2 =	vld [tilespmem:s19+$0xFFFFFFF0]  }
0x2e: {  	s16 =	smul.u32 $0x8100, s30;
	s15 =	sshrl.u32 s15, $0x2;
	v0 =	vld [tilespmem:s19+$0x0]  }
0x2f: {  	v1 =	vld [tilespmem:s19+$0xFFFFFFE0];
	s17 =	sor.u32 $0x4000, s15  }
0x30: {  	s31 =	sshrl.u32 s16, $0x2;
	s16 =	sadd.s32 $0x0, s17  }
0x31: {  	s18 =	simm.s32 $0x4;
	s19 =	sadd.s32 $0x40, s19;
	s15 =	sor.u32 $0x4000, s31;
	[tilespmem:s16+$0x1830 ss:$0x81] =	vst.msk $0xffff, v3  }
.LBB1_3:
0x32: {  	v3 =	vld [tilespmem:s19+$0x10];
	p1 =	sne.s32 s18, $0x1FC;
	[tilespmem:s16+$0x810 ss:$0x81] =	vst.msk $0xffff, v2;
	s20 =	smov.u32 s18;
	s18 =	sadd.s32 $0x4, s18  }
.Ltmp3:
0x33: {  	v2 =	vld [tilespmem:s19+$0xFFFFFFF0];
	[tilespmem:s16+$0x1020 ss:$0x81] =	vst.msk $0xffff, v0;
	(pc) =	sbr.rel @p1 .LBB1_3-.Ltmp3, $4  }
0x34: {  	v0 =	vld [tilespmem:s19+$0x0];
	[tilespmem:s16+$0x0 ss:$0x81] =	vst.msk $0xffff, v1  }
0x35: {  	s16 =	sshra.s32 s20, $0x2;
	v1 =	vld [tilespmem:s19+$0xFFFFFFE0]  }
0x36: {  	s16 =	sadd.s32 s16, s17  }
0x37: {  	s19 =	sadd.s32 $0x40, s19;
	[tilespmem:s16+$0x1830 ss:$0x81] =	vst.msk $0xffff, v3  }
.Ltmp4:
0x38: {  	_ = 	snop;
	(pc) =	sbr.rel .LBB1_4-.Ltmp4, $1  }
0x39: {  	_ =	sdelay $0x3  }
.LBB1_6:
0x3a: {  	_ =	sfence.sel $0x180000  }
0x3b: {  	s2 =	simm.s32 $0x1;
	[bflag:$0x0] =	sbarrier.arrive $0xFFFF  }
0x3c: {  	s31 =	simm.s32 $0x2;
	[sflag:s2] =	ssyncpa.u1 $0x1  }
0x3d: {  	[sflag:s31] =	ssyncpa.u1 $0x1  }
0x3e: {  	p0 =	sne.s32 s0, $0x0;
	_ =	strace $0x9000004A  }
0x3f: {  	s0 =	sadd.s32 @!p0 $0x100000, s1;
	[bflag:$0x2] =	sbarrier.arrive $0xFFFF  }
0x40: {  	[sflag:s0] =	ssyncadd.tile.s32 @!p0 $0x1;
	_ =	shalt  }
.Lfunc_end1:
_tile_overlayer_lowered:
.L_overlay_start_2:
0x41: {  	(tag) =	ssettag $0x2  }
0x42: {  	s0 =	rddreg [dreg:$0x0];
	s2 =	stileid.u32  }
0x43: {  	s1 =	rddreg [dreg:$0x1];
	p0 =	sne.s32 s2, $0x0  }
0x44: {  	s3 =	rddreg [dreg:$0x2];
	[bflag:$0x3] =	sbarrier.arrive $0xFFFF;
	s2 =	simm.s32 @!p0 $0x1C01  }
0x45: {  	[timem:s3], [sflag:s2] =	dma.local @!p0 [hbm:s0], s1  }
0x46: {  	s0 =	simm.s32 @!p0 $0x1  }
0x47: {  	_ =	swait.ge @!p0 [sflag:s0], s1  }
0x48: {  	s1 =	ssub.s32 @!p0 $0x0, s1;
	[sflag:s0] =	ssyncset.done @!p0 $0x0  }
0x49: {  	[sflag:s0] =	ssyncadd.s32 @!p0 s1  }
0x4a: {  	[bflag:$0x3] =	sbarrier.arrive $0xFFFF  }
0x4b: {  	_ =	shalt  }

</sc_bundles>
